<compile_context>
chip_gen: v7x
topology: tpu7x:2x2x1
jax: 0.10.2.dev20260603
libtpu: 0.0.44.dev20260713+nightly
codegen_flags: <defaults>
</compile_context>

<pallas_src>
import functools

import jax
import jax.numpy as jnp
from jax import lax
from jax.experimental import pallas as pl
from jax.experimental.pallas import tpu as pltpu
from jax.experimental.pallas import tpu_sc as plsc

_B, _T, _D = 8, 16, 128
_N = _B * _T
_L = 16
_NW = 16
_RW = _N // _NW
_LN2 = 0.6931471805599453


def _vlog(s):
    bits = plsc.bitcast(s, jnp.int32)
    e = (bits >> 23) - 127
    man = plsc.bitcast((bits & 0x7FFFFF) | 0x3F800000, jnp.float32)
    u = man - 1.0
    y = e.astype(jnp.float32) * _LN2 + u * (1.0 + u * (-0.5 + u * (1.0 / 3.0 + u * -0.25)))
    for _ in range(3):
        y = y + s * jnp.exp(-y) - 1.0
    return y


def _fused_body(idx_hbm, tgt_hbm, table_hbm, out_hbm, loss_hbm, parts_hbm,
                idx_v, tgt_v, rows_v, part_v, red_v, sem, sem2, sem3):
    w = lax.axis_index("s")
    half = w % 2

    cp_idx = pltpu.async_copy(idx_hbm.at[w // 2], idx_v, sem)
    cp_tgt = pltpu.async_copy(tgt_hbm.at[w // 2], tgt_v, sem2)
    cp_idx.wait()
    pltpu.async_copy(table_hbm.at[idx_v.at[pl.ds(half * _RW, _RW)]], rows_v, sem).wait()
    cp_out = pltpu.async_copy(rows_v, out_hbm.at[pl.ds(w * _RW, _RW)], sem3)

    lanes = lax.iota(jnp.int32, _L)
    m_vec = jnp.zeros((_L,), jnp.float32)
    s_vec = jnp.ones((_L,), jnp.float32)

    def row_body(r, carry):
        m_v, s_v = carry

        def mx_body(j, mx):
            return jnp.maximum(mx, rows_v[r, pl.ds(pl.multiple_of(j * _L, _L), _L)])

        mx = lax.fori_loop(1, _D // _L, mx_body, rows_v[r, pl.ds(0, _L)])
        m = jnp.max(mx)

        def sm_body(j, acc):
            return acc + jnp.exp(rows_v[r, pl.ds(pl.multiple_of(j * _L, _L), _L)] - m)

        acc = lax.fori_loop(1, _D // _L, sm_body, jnp.exp(rows_v[r, pl.ds(0, _L)] - m))
        sm = jnp.sum(acc)
        sel = lanes == r
        return jnp.where(sel, m, m_v), jnp.where(sel, sm, s_v)

    m_vec, s_vec = lax.fori_loop(0, _RW, row_body, (m_vec, s_vec))

    cp_tgt.wait()
    tcol = jnp.take(tgt_v[...], half * _RW + (lanes & (_RW - 1)))
    picks = plsc.load_gather(rows_v, [lanes & (_RW - 1), tcol])
    part = jnp.where(lanes < _RW, m_vec + _vlog(s_vec) - picks, 0.0)
    part_v[...] = part
    pltpu.async_copy(part_v, parts_hbm.at[w], sem).wait()
    cp_out.wait()

    plsc.subcore_barrier()

    @pl.when(w == 0)
    def _reduce():
        pltpu.sync_copy(parts_hbm, red_v)
        tot = lax.fori_loop(1, _NW, lambda k, t: t + red_v[k, :], red_v[0, :])
        loss = jnp.sum(tot * (1.0 / _N))
        part_v[...] = jnp.full((_L,), loss, jnp.float32)
        pltpu.sync_copy(part_v, loss_hbm)


@functools.cache
def _fused():
    return pl.kernel(
        _fused_body,
        out_type=(
            jax.ShapeDtypeStruct((_N, _D), jnp.float32),
            jax.ShapeDtypeStruct((_L,), jnp.float32),
            jax.ShapeDtypeStruct((_NW, _L), jnp.float32),
        ),
        mesh=plsc.VectorSubcoreMesh(
            core_axis_name="c", subcore_axis_name="s", num_cores=1
        ),
        compiler_params=pltpu.CompilerParams(needs_layout_passes=False),
        scratch_types=[
            pltpu.VMEM((_T,), jnp.int32),
            pltpu.VMEM((_T,), jnp.int32),
            pltpu.VMEM((_RW, _D), jnp.float32),
            pltpu.VMEM((_L,), jnp.float32),
            pltpu.VMEM((_NW, _L), jnp.float32),
            pltpu.SemaphoreType.DMA,
            pltpu.SemaphoreType.DMA,
            pltpu.SemaphoreType.DMA,
        ],
    )


def kernel(idx, targets, embedding_table):
    logits, loss, _ = _fused()(idx, targets, embedding_table)
    return logits, loss[0]

# --- scband reference (transcript-rebuilt; emitter-appended) ---
"""Pipeline reference for scband-bigram-language-model-17978733101778 (READ-ONLY COPY).

The authoritative reference and input builder live on the scoring server;
editing this copy changes nothing except your own understanding.
"""

import jax, jax.numpy as jnp
import numpy as np

BATCHSIZE = 8
CONTEXT = 16
VOCAB_SIZE = 1000000
EMBEDDING_DIMS = 128


def setup_inputs(seed: int = 0) -> dict:
    key = jax.random.key(seed)
    k1, k2, k3 = jax.random.split(key, 3)
    idx = jax.random.randint(k1, (BATCHSIZE, CONTEXT), 0, VOCAB_SIZE, dtype=jnp.int64 if jax.config.jax_enable_x64 else jnp.int32).astype(jnp.int32)
    targets = jax.random.randint(k2, (BATCHSIZE, CONTEXT), 0, EMBEDDING_DIMS, dtype=jnp.int32)
    embedding_table = jax.random.normal(k3, (VOCAB_SIZE, EMBEDDING_DIMS), dtype=jnp.float32)
    return {"idx": idx, "targets": targets, "embedding_table": embedding_table}


def reference(idx, targets, embedding_table):
    # logits = self.embedding_table(idx)  -> gather rows
    logits = jnp.take(embedding_table, idx, axis=0)  # [B, T, D]
    # targets is not None branch
    logits = logits.reshape(BATCHSIZE * CONTEXT, -1)  # [128, D]
    t = targets.reshape(BATCHSIZE * CONTEXT)  # [128]
    # F.cross_entropy: mean over batch of -log_softmax(logits)[target]
    logp = jax.nn.log_softmax(logits, axis=-1)
    loss = -jnp.mean(jnp.take_along_axis(logp, t[:, None], axis=1))
    return (logits, loss)

if __name__ == "__main__":
    import jax
    _d = setup_inputs()
    print(jax.jit(kernel)(*tuple(_d.values())))

</pallas_src>

<mosaic_0001>
#map = affine_map<(d0, d1) -> (0, 0)>
#map1 = affine_map<(d0, d1) -> (0)>
module attributes {stable_mosaic.version = 14 : i64} {
  func.func @_fused_body(%arg0: i32, %arg1: i32, %arg2: memref<8x16xi32, #tpu.memory_space<hbm>>, %arg3: memref<8x16xi32, #tpu.memory_space<hbm>>, %arg4: memref<1000000x128xf32, #tpu.memory_space<hbm>>, %arg5: memref<128x128xf32, #tpu.memory_space<hbm>>, %arg6: memref<16xf32, #tpu.memory_space<hbm>>, %arg7: memref<16x16xf32, #tpu.memory_space<hbm>>, %arg8: memref<16xi32, #tpu.memory_space<vmem>>, %arg9: memref<16xi32, #tpu.memory_space<vmem>>, %arg10: memref<8x128xf32, #tpu.memory_space<vmem>>, %arg11: memref<16xf32, #tpu.memory_space<vmem>>, %arg12: memref<16x16xf32, #tpu.memory_space<vmem>>, %arg13: memref<!tpu.dma_semaphore, #tpu.memory_space<semaphore_mem>>, %arg14: memref<!tpu.dma_semaphore, #tpu.memory_space<semaphore_mem>>, %arg15: memref<!tpu.dma_semaphore, #tpu.memory_space<semaphore_mem>>) attributes {dimension_semantics = [#tpu.dimension_semantics<core_parallel>, #tpu.dimension_semantics<subcore_parallel>], iteration_bounds = array<i64: 1, 16>, scalar_prefetch = 0 : i64, scratch_operands = 8 : i64, tpu.core_type = #tpu.core_type<sc_vector_subcore>, window_params = [{transform_indices = #map}, {transform_indices = #map}, {transform_indices = #map}, {transform_indices = #map}, {transform_indices = #map1}, {transform_indices = #map}]} {
    %jit3A = arith.constant 2 : i32
    %eq3A = arith.constant 0 : i32
    %eq3A_0 = arith.cmpi eq, %jit3A, %eq3A : i32
    %jit3A_1 = arith.constant 1 : i32
    %select_n3A = arith.select %eq3A_0, %jit3A_1, %jit3A : i32
    %rem3A = arith.remsi %arg1, %select_n3A : i32
    %ne3A = arith.constant 0 : i32
    %ne3A_2 = arith.cmpi ne, %rem3A, %ne3A : i32
    %lt3A = arith.constant 0 : i32
    %lt3A_3 = arith.cmpi slt, %rem3A, %lt3A : i32
    %lt3A_4 = arith.constant 0 : i32
    %lt3A_5 = arith.cmpi slt, %select_n3A, %lt3A_4 : i32
    %ne3A_6 = arith.xori %lt3A_3, %lt3A_5 : i1
    %and3A = arith.andi %ne3A_6, %ne3A_2 : i1
    %add3A = arith.addi %rem3A, %select_n3A : i32
    %select_n3A_7 = arith.select %and3A, %add3A, %rem3A : i32
    %jit3A_8 = arith.constant 2 : i32
    %div3A = arith.divsi %arg1, %jit3A_8 : i32
    %sign3A = arith.constant 0 : i32
    %sign3A_9 = arith.cmpi sgt, %arg1, %sign3A : i32
    %sign3A_10 = arith.extui %sign3A_9 : i1 to i32
    %sign3A_11 = arith.constant 0 : i32
    %sign3A_12 = arith.cmpi slt, %arg1, %sign3A_11 : i32
    %sign3A_13 = arith.extui %sign3A_12 : i1 to i32
    %sign3A_14 = arith.subi %sign3A_10, %sign3A_13 : i32
    %sign3A_15 = arith.constant 0 : i32
    %sign3A_16 = arith.cmpi sgt, %jit3A_8, %sign3A_15 : i32
    %sign3A_17 = arith.extui %sign3A_16 : i1 to i32
    %sign3A_18 = arith.constant 0 : i32
    %sign3A_19 = arith.cmpi slt, %jit3A_8, %sign3A_18 : i32
    %sign3A_20 = arith.extui %sign3A_19 : i1 to i32
    %sign3A_21 = arith.subi %sign3A_17, %sign3A_20 : i32
    %ne3A_22 = arith.cmpi ne, %sign3A_14, %sign3A_21 : i32
    %rem3A_23 = arith.remsi %arg1, %jit3A_8 : i32
    %ne3A_24 = arith.constant 0 : i32
    %ne3A_25 = arith.cmpi ne, %rem3A_23, %ne3A_24 : i32
    %and3A_26 = arith.andi %ne3A_22, %ne3A_25 : i1
    %sub3A = arith.constant 1 : i32
    %sub3A_27 = arith.subi %div3A, %sub3A : i32
    %select_n3A_28 = arith.select %and3A_26, %sub3A_27, %div3A : i32
    %dma_start3A = arith.constant 0 : i32
    %dma_start3A_29 = tpu.memref_slice %arg2[%select_n3A_28, %dma_start3A] : memref<8x16xi32, #tpu.memory_space<hbm>> -> memref<1x16xi32, #tpu.memory_space<hbm>>
    %dma_start3A_30 = tpu.memref_squeeze %dma_start3A_29 : memref<1x16xi32, #tpu.memory_space<hbm>> -> memref<16xi32, #tpu.memory_space<hbm>>
    %dma_start3A_31 = arith.constant 0 : i32
    %dma_start3A_32 = tpu.memref_slice %arg2[%select_n3A_28, %dma_start3A_31] : memref<8x16xi32, #tpu.memory_space<hbm>> -> memref<1x16xi32, #tpu.memory_space<hbm>>
    %dma_start3A_33 = tpu.memref_squeeze %dma_start3A_32 : memref<1x16xi32, #tpu.memory_space<hbm>> -> memref<16xi32, #tpu.memory_space<hbm>>
    tpu.enqueue_dma source(%dma_start3A_33 : memref<16xi32, #tpu.memory_space<hbm>>) target(%arg8 : memref<16xi32, #tpu.memory_space<vmem>>) target_semaphore(%arg13 : memref<!tpu.dma_semaphore, #tpu.memory_space<semaphore_mem>>)
    %jit3A_34 = arith.constant 2 : i32
    %div3A_35 = arith.divsi %arg1, %jit3A_34 : i32
    %sign3A_36 = arith.constant 0 : i32
    %sign3A_37 = arith.cmpi sgt, %arg1, %sign3A_36 : i32
    %sign3A_38 = arith.extui %sign3A_37 : i1 to i32
    %sign3A_39 = arith.constant 0 : i32
    %sign3A_40 = arith.cmpi slt, %arg1, %sign3A_39 : i32
    %sign3A_41 = arith.extui %sign3A_40 : i1 to i32
    %sign3A_42 = arith.subi %sign3A_38, %sign3A_41 : i32
    %sign3A_43 = arith.constant 0 : i32
    %sign3A_44 = arith.cmpi sgt, %jit3A_34, %sign3A_43 : i32
    %sign3A_45 = arith.extui %sign3A_44 : i1 to i32
    %sign3A_46 = arith.constant 0 : i32
    %sign3A_47 = arith.cmpi slt, %jit3A_34, %sign3A_46 : i32
    %sign3A_48 = arith.extui %sign3A_47 : i1 to i32
    %sign3A_49 = arith.subi %sign3A_45, %sign3A_48 : i32
    %ne3A_50 = arith.cmpi ne, %sign3A_42, %sign3A_49 : i32
    %rem3A_51 = arith.remsi %arg1, %jit3A_34 : i32
    %ne3A_52 = arith.constant 0 : i32
    %ne3A_53 = arith.cmpi ne, %rem3A_51, %ne3A_52 : i32
    %and3A_54 = arith.andi %ne3A_50, %ne3A_53 : i1
    %sub3A_55 = arith.constant 1 : i32
    %sub3A_56 = arith.subi %div3A_35, %sub3A_55 : i32
    %select_n3A_57 = arith.select %and3A_54, %sub3A_56, %div3A_35 : i32
    %dma_start3A_58 = arith.constant 0 : i32
    %dma_start3A_59 = tpu.memref_slice %arg3[%select_n3A_57, %dma_start3A_58] : memref<8x16xi32, #tpu.memory_space<hbm>> -> memref<1x16xi32, #tpu.memory_space<hbm>>
    %dma_start3A_60 = tpu.memref_squeeze %dma_start3A_59 : memref<1x16xi32, #tpu.memory_space<hbm>> -> memref<16xi32, #tpu.memory_space<hbm>>
    %dma_start3A_61 = arith.constant 0 : i32
    %dma_start3A_62 = tpu.memref_slice %arg3[%select_n3A_57, %dma_start3A_61] : memref<8x16xi32, #tpu.memory_space<hbm>> -> memref<1x16xi32, #tpu.memory_space<hbm>>
    %dma_start3A_63 = tpu.memref_squeeze %dma_start3A_62 : memref<1x16xi32, #tpu.memory_space<hbm>> -> memref<16xi32, #tpu.memory_space<hbm>>
    tpu.enqueue_dma source(%dma_start3A_63 : memref<16xi32, #tpu.memory_space<hbm>>) target(%arg9 : memref<16xi32, #tpu.memory_space<vmem>>) target_semaphore(%arg14 : memref<!tpu.dma_semaphore, #tpu.memory_space<semaphore_mem>>)
    %dma_wait3A = arith.constant 0 : i32
    %dma_wait3A_64 = tpu.memref_slice %arg2[%select_n3A_28, %dma_wait3A] : memref<8x16xi32, #tpu.memory_space<hbm>> -> memref<1x16xi32, #tpu.memory_space<hbm>>
    %dma_wait3A_65 = tpu.memref_squeeze %dma_wait3A_64 : memref<1x16xi32, #tpu.memory_space<hbm>> -> memref<16xi32, #tpu.memory_space<hbm>>
    %dma_wait3A_66 = arith.constant 0 : i32
    %dma_wait3A_67 = tpu.memref_slice %arg2[%select_n3A_28, %dma_wait3A_66] : memref<8x16xi32, #tpu.memory_space<hbm>> -> memref<1x16xi32, #tpu.memory_space<hbm>>
    %dma_wait3A_68 = tpu.memref_squeeze %dma_wait3A_67 : memref<1x16xi32, #tpu.memory_space<hbm>> -> memref<16xi32, #tpu.memory_space<hbm>>
    tpu.wait_dma2 semaphore(%arg13 : memref<!tpu.dma_semaphore, #tpu.memory_space<semaphore_mem>>) src(%dma_wait3A_68 : memref<16xi32, #tpu.memory_space<hbm>>) dst(%arg8 : memref<16xi32, #tpu.memory_space<vmem>>)
    %mul3A = arith.constant 8 : i32
    %mul3A_69 = arith.muli %select_n3A_7, %mul3A : i32
    %dma_start3A_70 = tpu.memref_slice %arg8[%mul3A_69] : memref<16xi32, #tpu.memory_space<vmem>> -> memref<8xi32, #tpu.memory_space<vmem>>
    %dma_start3A_71 = arith.constant 0 : i32
    %dma_start3A_72 = arith.constant 0 : i32
    %dma_start3A_73 = tpu.memref_slice %arg4[%dma_start3A_71, %dma_start3A_72] : memref<1000000x128xf32, #tpu.memory_space<hbm>> -> memref<1000000x128xf32, #tpu.memory_space<hbm>>
    tpu.enqueue_indirect_dma source(%dma_start3A_73 : memref<1000000x128xf32, #tpu.memory_space<hbm>>) target(%arg10 : memref<8x128xf32, #tpu.memory_space<vmem>>) offsets(%dma_start3A_70 : memref<8xi32, #tpu.memory_space<vmem>>) semaphore(%arg13 : memref<!tpu.dma_semaphore, #tpu.memory_space<semaphore_mem>>)
    %dma_wait3A_74 = tpu.memref_slice %arg8[%mul3A_69] : memref<16xi32, #tpu.memory_space<vmem>> -> memref<8xi32, #tpu.memory_space<vmem>>
    %dma_wait3A_75 = arith.constant 0 : i32
    %dma_wait3A_76 = arith.constant 0 : i32
    %dma_wait3A_77 = tpu.memref_slice %arg4[%dma_wait3A_75, %dma_wait3A_76] : memref<1000000x128xf32, #tpu.memory_space<hbm>> -> memref<1000000x128xf32, #tpu.memory_space<hbm>>
    tpu.wait_indirect_dma semaphore(%arg13 : memref<!tpu.dma_semaphore, #tpu.memory_space<semaphore_mem>>) src(%dma_wait3A_77 : memref<1000000x128xf32, #tpu.memory_space<hbm>>) dst(%arg10 : memref<8x128xf32, #tpu.memory_space<vmem>>)
    %mul3A_78 = arith.constant 8 : i32
    %mul3A_79 = arith.muli %arg1, %mul3A_78 : i32
    %dma_start3A_80 = arith.constant 0 : i32
    %dma_start3A_81 = tpu.memref_slice %arg5[%mul3A_79, %dma_start3A_80] : memref<128x128xf32, #tpu.memory_space<hbm>> -> memref<8x128xf32, #tpu.memory_space<hbm>>
    %dma_start3A_82 = arith.constant 0 : i32
    %dma_start3A_83 = tpu.memref_slice %arg5[%mul3A_79, %dma_start3A_82] : memref<128x128xf32, #tpu.memory_space<hbm>> -> memref<8x128xf32, #tpu.memory_space<hbm>>
    tpu.enqueue_dma source(%arg10 : memref<8x128xf32, #tpu.memory_space<vmem>>) target(%dma_start3A_83 : memref<8x128xf32, #tpu.memory_space<hbm>>) target_semaphore(%arg15 : memref<!tpu.dma_semaphore, #tpu.memory_space<semaphore_mem>>)
    %iota3A = tpu.iota {dimensions = array<i32: 0>} : vector<16xi32>
    %broadcast_in_dim3A = arith.constant 0.000000e+00 : f32
    %broadcast_in_dim3A_84 = vector.broadcast %broadcast_in_dim3A : f32 to vector<16xf32>
    %broadcast_in_dim3A_85 = arith.constant 1.000000e+00 : f32
    %broadcast_in_dim3A_86 = vector.broadcast %broadcast_in_dim3A_85 : f32 to vector<16xf32>
    %scan3A = arith.constant 0 : i32
    %scan3A_87 = arith.constant 8 : i32
    %scan3A_88 = arith.addi %scan3A, %scan3A_87 : i32
    %scan3A_89 = arith.constant 1 : i32
    %scan3A_90:2 = scf.for %scan3A_206 = %scan3A to %scan3A_88 step %scan3A_89 iter_args(%scan3A_207 = %broadcast_in_dim3A_84, %scan3A_208 = %broadcast_in_dim3A_86) -> (vector<16xf32>, vector<16xf32>)  : i32 {
      %get3A_209 = arith.index_cast %scan3A_206 : i32 to index
      %get3A_210 = arith.constant 0 : index
      %get3A_211 = tpu.vector_load %arg10[%get3A_209, %get3A_210] {strides = array<i32>} : memref<8x128xf32, #tpu.memory_space<vmem>>, vector<16xf32>,
      %scan3A_212 = arith.constant 1 : i32
      %scan3A_213 = arith.constant 7 : i32
      %scan3A_214 = arith.addi %scan3A_212, %scan3A_213 : i32
      %scan3A_215 = arith.constant 1 : i32
      %scan3A_216 = scf.for %scan3A_242 = %scan3A_212 to %scan3A_214 step %scan3A_215 iter_args(%scan3A_243 = %get3A_211) -> (vector<16xf32>)  : i32 {
        %mul3A_244 = arith.constant 16 : i32
        %mul3A_245 = arith.muli %scan3A_242, %mul3A_244 : i32
        %multiple_of3A = tpu.assume_multiple %mul3A_245, 16 : i32
        %get3A_246 = arith.index_cast %scan3A_206 : i32 to index
        %get3A_247 = arith.index_cast %multiple_of3A : i32 to index
        %get3A_248 = tpu.vector_load %arg10[%get3A_246, %get3A_247] {strides = array<i32>} : memref<8x128xf32, #tpu.memory_space<vmem>>, vector<16xf32>,
        %max3A = arith.maximumf %scan3A_243, %get3A_248 : vector<16xf32>
        scf.yield %max3A : vector<16xf32>
      }
      %scan3A_217 = arith.constant 7 : i32
      %reduce_max3A = arith.constant true
      %reduce_max3A_218 = vector.broadcast %reduce_max3A : i1 to vector<16xi1>
      %reduce_max3A_219 = tpu.scan <max>, %scan3A_216 masked %reduce_max3A_218 : vector<16xf32>, vector<16xi1> -> vector<16xf32>
      %reduce_max3A_220 = vector.extract %reduce_max3A_219[15] : f32 from vector<16xf32>
      %get3A_221 = arith.index_cast %scan3A_206 : i32 to index
      %get3A_222 = arith.constant 0 : index
      %get3A_223 = tpu.vector_load %arg10[%get3A_221, %get3A_222] {strides = array<i32>} : memref<8x128xf32, #tpu.memory_space<vmem>>, vector<16xf32>,
      %sub3A_224 = vector.broadcast %reduce_max3A_220 : f32 to vector<16xf32>
      %sub3A_225 = arith.subf %get3A_223, %sub3A_224 : vector<16xf32>
      %exp3A_226 = math.exp %sub3A_225 : vector<16xf32>
      %scan3A_227 = arith.constant 1 : i32
      %scan3A_228 = arith.constant 7 : i32
      %scan3A_229 = arith.addi %scan3A_227, %scan3A_228 : i32
      %scan3A_230 = arith.constant 1 : i32
      %scan3A_231 = scf.for %scan3A_242 = %scan3A_227 to %scan3A_229 step %scan3A_230 iter_args(%scan3A_243 = %exp3A_226) -> (vector<16xf32>)  : i32 {
        %mul3A_244 = arith.constant 16 : i32
        %mul3A_245 = arith.muli %scan3A_242, %mul3A_244 : i32
        %multiple_of3A = tpu.assume_multiple %mul3A_245, 16 : i32
        %get3A_246 = arith.index_cast %scan3A_206 : i32 to index
        %get3A_247 = arith.index_cast %multiple_of3A : i32 to index
        %get3A_248 = tpu.vector_load %arg10[%get3A_246, %get3A_247] {strides = array<i32>} : memref<8x128xf32, #tpu.memory_space<vmem>>, vector<16xf32>,
        %sub3A_249 = vector.broadcast %reduce_max3A_220 : f32 to vector<16xf32>
        %sub3A_250 = arith.subf %get3A_248, %sub3A_249 : vector<16xf32>
        %exp3A_251 = math.exp %sub3A_250 : vector<16xf32>
        %add3A_252 = arith.addf %scan3A_243, %exp3A_251 : vector<16xf32>
        scf.yield %add3A_252 : vector<16xf32>
      }
      %scan3A_232 = arith.constant 7 : i32
      %reduce_sum3A = arith.constant true
      %reduce_sum3A_233 = vector.broadcast %reduce_sum3A : i1 to vector<16xi1>
      %reduce_sum3A_234 = tpu.scan <sum>, %scan3A_231 masked %reduce_sum3A_233 : vector<16xf32>, vector<16xi1> -> vector<16xf32>
      %reduce_sum3A_235 = vector.extract %reduce_sum3A_234[15] : f32 from vector<16xf32>
      %eq3A_236 = vector.broadcast %scan3A_206 : i32 to vector<16xi32>
      %eq3A_237 = arith.cmpi eq, %iota3A, %eq3A_236 : vector<16xi32>
      %broadcast_in_dim3A_238 = vector.broadcast %reduce_max3A_220 : f32 to vector<16xf32>
      %select_n3A_239 = arith.select %eq3A_237, %broadcast_in_dim3A_238, %scan3A_207 : vector<16xi1>, vector<16xf32>
      %broadcast_in_dim3A_240 = vector.broadcast %reduce_sum3A_235 : f32 to vector<16xf32>
      %select_n3A_241 = arith.select %eq3A_237, %broadcast_in_dim3A_240, %scan3A_208 : vector<16xi1>, vector<16xf32>
      scf.yield %select_n3A_239, %select_n3A_241 : vector<16xf32>, vector<16xf32>
    }
    %scan3A_91 = arith.constant 8 : i32
    %dma_wait3A_92 = arith.constant 0 : i32
    %dma_wait3A_93 = tpu.memref_slice %arg3[%select_n3A_57, %dma_wait3A_92] : memref<8x16xi32, #tpu.memory_space<hbm>> -> memref<1x16xi32, #tpu.memory_space<hbm>>
    %dma_wait3A_94 = tpu.memref_squeeze %dma_wait3A_93 : memref<1x16xi32, #tpu.memory_space<hbm>> -> memref<16xi32, #tpu.memory_space<hbm>>
    %dma_wait3A_95 = arith.constant 0 : i32
    %dma_wait3A_96 = tpu.memref_slice %arg3[%select_n3A_57, %dma_wait3A_95] : memref<8x16xi32, #tpu.memory_space<hbm>> -> memref<1x16xi32, #tpu.memory_space<hbm>>
    %dma_wait3A_97 = tpu.memref_squeeze %dma_wait3A_96 : memref<1x16xi32, #tpu.memory_space<hbm>> -> memref<16xi32, #tpu.memory_space<hbm>>
    tpu.wait_dma2 semaphore(%arg14 : memref<!tpu.dma_semaphore, #tpu.memory_space<semaphore_mem>>) src(%dma_wait3A_97 : memref<16xi32, #tpu.memory_space<hbm>>) dst(%arg9 : memref<16xi32, #tpu.memory_space<vmem>>)
    %get3A = arith.constant 0 : index
    %get3A_98 = tpu.vector_load %arg9[%get3A] {strides = array<i32>} : memref<16xi32, #tpu.memory_space<vmem>>, vector<16xi32>,
    %mul3A_99 = arith.constant 8 : i32
    %mul3A_100 = arith.muli %select_n3A_7, %mul3A_99 : i32
    %and3A_101 = arith.constant 7 : i32
    %and3A_102 = vector.broadcast %and3A_101 : i32 to vector<16xi32>
    %and3A_103 = arith.andi %iota3A, %and3A_102 : vector<16xi32>
    %add3A_104 = vector.broadcast %mul3A_100 : i32 to vector<16xi32>
    %add3A_105 = arith.addi %add3A_104, %and3A_103 : vector<16xi32>
    %lt3A_106 = arith.constant 0 : i32
    %lt3A_107 = vector.broadcast %lt3A_106 : i32 to vector<16xi32>
    %lt3A_108 = arith.cmpi slt, %add3A_105, %lt3A_107 : vector<16xi32>
    %add3A_109 = arith.constant 16 : i32
    %add3A_110 = vector.broadcast %add3A_109 : i32 to vector<16xi32>
    %add3A_111 = arith.addi %add3A_105, %add3A_110 : vector<16xi32>
    %select_n3A_112 = arith.select %lt3A_108, %add3A_111, %add3A_105 : vector<16xi1>, vector<16xi32>
    %broadcast_in_dim3A_113 = vector.shape_cast %select_n3A_112 : vector<16xi32> to vector<16x1xi32>
    %gather3A = vector.shape_cast %broadcast_in_dim3A_113 : vector<16x1xi32> to vector<16xi32>
    %gather3A_114 = tpu.dynamic_gather %get3A_98[%gather3A] in [0] : vector<16xi32>, vector<16xi32> -> vector<16xi32>
    %and3A_115 = arith.constant 7 : i32
    %and3A_116 = vector.broadcast %and3A_115 : i32 to vector<16xi32>
    %and3A_117 = arith.andi %iota3A, %and3A_116 : vector<16xi32>
    %gather3A_118 = tpu.vector_load_idx %arg10[%and3A_117, %gather3A_114] : memref<8x128xf32, #tpu.memory_space<vmem>>[vector<16xi32>, vector<16xi32>], vector<16xf32>,
    %lt3A_119 = arith.constant 8 : i32
    %lt3A_120 = vector.broadcast %lt3A_119 : i32 to vector<16xi32>
    %lt3A_121 = arith.cmpi slt, %iota3A, %lt3A_120 : vector<16xi32>
    %bitcast3A = vector.bitcast %scan3A_90#1 : vector<16xf32> to vector<16xi32>
    %shift_right_arithmetic3A = arith.constant 23 : i32
    %shift_right_arithmetic3A_122 = vector.broadcast %shift_right_arithmetic3A : i32 to vector<16xi32>
    %shift_right_arithmetic3A_123 = arith.shrsi %bitcast3A, %shift_right_arithmetic3A_122 : vector<16xi32>
    %sub3A_124 = arith.constant 127 : i32
    %sub3A_125 = vector.broadcast %sub3A_124 : i32 to vector<16xi32>
    %sub3A_126 = arith.subi %shift_right_arithmetic3A_123, %sub3A_125 : vector<16xi32>
    %and3A_127 = arith.constant 8388607 : i32
    %and3A_128 = vector.broadcast %and3A_127 : i32 to vector<16xi32>
    %and3A_129 = arith.andi %bitcast3A, %and3A_128 : vector<16xi32>
    %or3A = arith.constant 1065353216 : i32
    %or3A_130 = vector.broadcast %or3A : i32 to vector<16xi32>
    %or3A_131 = arith.ori %and3A_129, %or3A_130 : vector<16xi32>
    %bitcast3A_132 = vector.bitcast %or3A_131 : vector<16xi32> to vector<16xf32>
    %sub3A_133 = arith.constant 1.000000e+00 : f32
    %sub3A_134 = vector.broadcast %sub3A_133 : f32 to vector<16xf32>
    %sub3A_135 = arith.subf %bitcast3A_132, %sub3A_134 : vector<16xf32>
    %convert_element_type3A = arith.sitofp %sub3A_126 : vector<16xi32> to vector<16xf32>
    %mul3A_136 = arith.constant 0.693147182 : f32
    %mul3A_137 = vector.broadcast %mul3A_136 : f32 to vector<16xf32>
    %mul3A_138 = arith.mulf %convert_element_type3A, %mul3A_137 : vector<16xf32>
    %mul3A_139 = arith.constant -2.500000e-01 : f32
    %mul3A_140 = vector.broadcast %mul3A_139 : f32 to vector<16xf32>
    %mul3A_141 = arith.mulf %sub3A_135, %mul3A_140 : vector<16xf32>
    %add3A_142 = arith.constant 0.333333343 : f32
    %add3A_143 = vector.broadcast %add3A_142 : f32 to vector<16xf32>
    %add3A_144 = arith.addf %add3A_143, %mul3A_141 : vector<16xf32>
    %mul3A_145 = arith.mulf %sub3A_135, %add3A_144 : vector<16xf32>
    %add3A_146 = arith.constant -5.000000e-01 : f32
    %add3A_147 = vector.broadcast %add3A_146 : f32 to vector<16xf32>
    %add3A_148 = arith.addf %add3A_147, %mul3A_145 : vector<16xf32>
    %mul3A_149 = arith.mulf %sub3A_135, %add3A_148 : vector<16xf32>
    %add3A_150 = arith.constant 1.000000e+00 : f32
    %add3A_151 = vector.broadcast %add3A_150 : f32 to vector<16xf32>
    %add3A_152 = arith.addf %add3A_151, %mul3A_149 : vector<16xf32>
    %mul3A_153 = arith.mulf %sub3A_135, %add3A_152 : vector<16xf32>
    %add3A_154 = arith.addf %mul3A_138, %mul3A_153 : vector<16xf32>
    %neg3A = arith.constant 0.000000e+00 : f32
    %neg3A_155 = vector.broadcast %neg3A : f32 to vector<16xf32>
    %neg3A_156 = arith.subf %neg3A_155, %add3A_154 : vector<16xf32>
    %exp3A = math.exp %neg3A_156 : vector<16xf32>
    %mul3A_157 = arith.mulf %scan3A_90#1, %exp3A : vector<16xf32>
    %add3A_158 = arith.addf %add3A_154, %mul3A_157 : vector<16xf32>
    %sub3A_159 = arith.constant 1.000000e+00 : f32
    %sub3A_160 = vector.broadcast %sub3A_159 : f32 to vector<16xf32>
    %sub3A_161 = arith.subf %add3A_158, %sub3A_160 : vector<16xf32>
    %neg3A_162 = arith.constant 0.000000e+00 : f32
    %neg3A_163 = vector.broadcast %neg3A_162 : f32 to vector<16xf32>
    %neg3A_164 = arith.subf %neg3A_163, %sub3A_161 : vector<16xf32>
    %exp3A_165 = math.exp %neg3A_164 : vector<16xf32>
    %mul3A_166 = arith.mulf %scan3A_90#1, %exp3A_165 : vector<16xf32>
    %add3A_167 = arith.addf %sub3A_161, %mul3A_166 : vector<16xf32>
    %sub3A_168 = arith.constant 1.000000e+00 : f32
    %sub3A_169 = vector.broadcast %sub3A_168 : f32 to vector<16xf32>
    %sub3A_170 = arith.subf %add3A_167, %sub3A_169 : vector<16xf32>
    %neg3A_171 = arith.constant 0.000000e+00 : f32
    %neg3A_172 = vector.broadcast %neg3A_171 : f32 to vector<16xf32>
    %neg3A_173 = arith.subf %neg3A_172, %sub3A_170 : vector<16xf32>
    %exp3A_174 = math.exp %neg3A_173 : vector<16xf32>
    %mul3A_175 = arith.mulf %scan3A_90#1, %exp3A_174 : vector<16xf32>
    %add3A_176 = arith.addf %sub3A_170, %mul3A_175 : vector<16xf32>
    %sub3A_177 = arith.constant 1.000000e+00 : f32
    %sub3A_178 = vector.broadcast %sub3A_177 : f32 to vector<16xf32>
    %sub3A_179 = arith.subf %add3A_176, %sub3A_178 : vector<16xf32>
    %add3A_180 = arith.addf %scan3A_90#0, %sub3A_179 : vector<16xf32>
    %sub3A_181 = arith.subf %add3A_180, %gather3A_118 : vector<16xf32>
    %jit3A_182 = arith.constant 0.000000e+00 : f32
    %broadcast_in_dim3A_183 = vector.broadcast %jit3A_182 : f32 to vector<16xf32>
    %select_n3A_184 = arith.select %lt3A_121, %sub3A_181, %broadcast_in_dim3A_183 : vector<16xi1>, vector<16xf32>
    %swap3A = arith.constant 0 : index
    %swap3A_185 = tpu.vector_load %arg11[%swap3A] {strides = array<i32>} : memref<16xf32, #tpu.memory_space<vmem>>, vector<16xf32>,
    tpu.vector_store %arg11[%swap3A], %select_n3A_184 {strides = array<i32>} : memref<16xf32, #tpu.memory_space<vmem>>, vector<16xf32>,
    %dma_start3A_186 = arith.constant 0 : i32
    %dma_start3A_187 = tpu.memref_slice %arg7[%arg1, %dma_start3A_186] : memref<16x16xf32, #tpu.memory_space<hbm>> -> memref<1x16xf32, #tpu.memory_space<hbm>>
    %dma_start3A_188 = tpu.memref_squeeze %dma_start3A_187 : memref<1x16xf32, #tpu.memory_space<hbm>> -> memref<16xf32, #tpu.memory_space<hbm>>
    %dma_start3A_189 = arith.constant 0 : i32
    %dma_start3A_190 = tpu.memref_slice %arg7[%arg1, %dma_start3A_189] : memref<16x16xf32, #tpu.memory_space<hbm>> -> memref<1x16xf32, #tpu.memory_space<hbm>>
    %dma_start3A_191 = tpu.memref_squeeze %dma_start3A_190 : memref<1x16xf32, #tpu.memory_space<hbm>> -> memref<16xf32, #tpu.memory_space<hbm>>
    tpu.enqueue_dma source(%arg11 : memref<16xf32, #tpu.memory_space<vmem>>) target(%dma_start3A_191 : memref<16xf32, #tpu.memory_space<hbm>>) target_semaphore(%arg13 : memref<!tpu.dma_semaphore, #tpu.memory_space<semaphore_mem>>)
    %dma_wait3A_192 = arith.constant 0 : i32
    %dma_wait3A_193 = tpu.memref_slice %arg7[%arg1, %dma_wait3A_192] : memref<16x16xf32, #tpu.memory_space<hbm>> -> memref<1x16xf32, #tpu.memory_space<hbm>>
    %dma_wait3A_194 = tpu.memref_squeeze %dma_wait3A_193 : memref<1x16xf32, #tpu.memory_space<hbm>> -> memref<16xf32, #tpu.memory_space<hbm>>
    %dma_wait3A_195 = arith.constant 0 : i32
    %dma_wait3A_196 = tpu.memref_slice %arg7[%arg1, %dma_wait3A_195] : memref<16x16xf32, #tpu.memory_space<hbm>> -> memref<1x16xf32, #tpu.memory_space<hbm>>
    %dma_wait3A_197 = tpu.memref_squeeze %dma_wait3A_196 : memref<1x16xf32, #tpu.memory_space<hbm>> -> memref<16xf32, #tpu.memory_space<hbm>>
    tpu.wait_dma2 semaphore(%arg13 : memref<!tpu.dma_semaphore, #tpu.memory_space<semaphore_mem>>) src(%arg11 : memref<16xf32, #tpu.memory_space<vmem>>) dst(%dma_wait3A_197 : memref<16xf32, #tpu.memory_space<hbm>>)
    %dma_wait3A_198 = arith.constant 0 : i32
    %dma_wait3A_199 = tpu.memref_slice %arg5[%mul3A_79, %dma_wait3A_198] : memref<128x128xf32, #tpu.memory_space<hbm>> -> memref<8x128xf32, #tpu.memory_space<hbm>>
    %dma_wait3A_200 = arith.constant 0 : i32
    %dma_wait3A_201 = tpu.memref_slice %arg5[%mul3A_79, %dma_wait3A_200] : memref<128x128xf32, #tpu.memory_space<hbm>> -> memref<8x128xf32, #tpu.memory_space<hbm>>
    tpu.wait_dma2 semaphore(%arg15 : memref<!tpu.dma_semaphore, #tpu.memory_space<semaphore_mem>>) src(%arg10 : memref<8x128xf32, #tpu.memory_space<vmem>>) dst(%dma_wait3A_201 : memref<8x128xf32, #tpu.memory_space<hbm>>)
    %barrier3A = arith.constant 0 : index
    tpu.barrier barrier_id(%barrier3A)
    %eq3A_202 = arith.constant 0 : i32
    %eq3A_203 = arith.cmpi eq, %arg1, %eq3A_202 : i32
    %convert_element_type3A_204 = arith.extui %eq3A_203 : i1 to i32
    %cond3A = arith.constant 0 : i32
    %cond3A_205 = arith.cmpi ne, %convert_element_type3A_204, %cond3A : i32
    scf.if %cond3A_205 {
      "tpu.region"() ({
        %run_scoped3A = tpu.sem_alloc : memref<!tpu.dma_semaphore, #tpu.memory_space<semaphore_mem>>
        tpu.enqueue_dma source(%arg7 : memref<16x16xf32, #tpu.memory_space<hbm>>) target(%arg12 : memref<16x16xf32, #tpu.memory_space<vmem>>) target_semaphore(%run_scoped3A : memref<!tpu.dma_semaphore, #tpu.memory_space<semaphore_mem>>)
        tpu.wait_dma2 semaphore(%run_scoped3A : memref<!tpu.dma_semaphore, #tpu.memory_space<semaphore_mem>>) src(%arg7 : memref<16x16xf32, #tpu.memory_space<hbm>>) dst(%arg12 : memref<16x16xf32, #tpu.memory_space<vmem>>)
        tpu.yield
      }) : () -> ()
      %get3A_206 = arith.constant 0 : i32
      %get3A_207 = arith.index_cast %get3A_206 : i32 to index
      %get3A_208 = arith.constant 0 : index
      %get3A_209 = tpu.vector_load %arg12[%get3A_207, %get3A_208] {strides = array<i32>} : memref<16x16xf32, #tpu.memory_space<vmem>>, vector<16xf32>,
      %scan3A_210 = arith.constant 1 : i32
      %scan3A_211 = arith.constant 15 : i32
      %scan3A_212 = arith.addi %scan3A_210, %scan3A_211 : i32
      %scan3A_213 = arith.constant 1 : i32
      %scan3A_214 = scf.for %scan3A_225 = %scan3A_210 to %scan3A_212 step %scan3A_213 iter_args(%scan3A_226 = %get3A_209) -> (vector<16xf32>)  : i32 {
        %get3A_227 = arith.index_cast %scan3A_225 : i32 to index
        %get3A_228 = arith.constant 0 : index
        %get3A_229 = tpu.vector_load %arg12[%get3A_227, %get3A_228] {strides = array<i32>} : memref<16x16xf32, #tpu.memory_space<vmem>>, vector<16xf32>,
        %add3A_230 = arith.addf %scan3A_226, %get3A_229 : vector<16xf32>
        scf.yield %add3A_230 : vector<16xf32>
      }
      %scan3A_215 = arith.constant 15 : i32
      %mul3A_216 = arith.constant 7.812500e-03 : f32
      %mul3A_217 = vector.broadcast %mul3A_216 : f32 to vector<16xf32>
      %mul3A_218 = arith.mulf %scan3A_214, %mul3A_217 : vector<16xf32>
      %reduce_sum3A = arith.constant true
      %reduce_sum3A_219 = vector.broadcast %reduce_sum3A : i1 to vector<16xi1>
      %reduce_sum3A_220 = tpu.scan <sum>, %mul3A_218 masked %reduce_sum3A_219 : vector<16xf32>, vector<16xi1> -> vector<16xf32>
      %reduce_sum3A_221 = vector.extract %reduce_sum3A_220[15] : f32 from vector<16xf32>
      %broadcast_in_dim3A_222 = vector.broadcast %reduce_sum3A_221 : f32 to vector<16xf32>
      %swap3A_223 = arith.constant 0 : index
      %swap3A_224 = tpu.vector_load %arg11[%swap3A_223] {strides = array<i32>} : memref<16xf32, #tpu.memory_space<vmem>>, vector<16xf32>,
      tpu.vector_store %arg11[%swap3A_223], %broadcast_in_dim3A_222 {strides = array<i32>} : memref<16xf32, #tpu.memory_space<vmem>>, vector<16xf32>,
      "tpu.region"() ({
        %run_scoped3A = tpu.sem_alloc : memref<!tpu.dma_semaphore, #tpu.memory_space<semaphore_mem>>
        tpu.enqueue_dma source(%arg11 : memref<16xf32, #tpu.memory_space<vmem>>) target(%arg6 : memref<16xf32, #tpu.memory_space<hbm>>) target_semaphore(%run_scoped3A : memref<!tpu.dma_semaphore, #tpu.memory_space<semaphore_mem>>)
        tpu.wait_dma2 semaphore(%run_scoped3A : memref<!tpu.dma_semaphore, #tpu.memory_space<semaphore_mem>>) src(%arg11 : memref<16xf32, #tpu.memory_space<vmem>>) dst(%arg6 : memref<16xf32, #tpu.memory_space<hbm>>)
        tpu.yield
      }) : () -> ()
    } else {
    }
    return
  }
}

</mosaic_0001>

<sc_bundles>
// kernel: kernel.3.cloned.1.call-start
scs
__scs_entry_jumppad:
0x0: {  	(pc) =	sbr.rel $0x88, $3  }
0x1: {  	(tag) =	ssettag $0x0;
	lr =	simm.s32 $0x1  }
0x2: {  	[smem:$0x3F9E] =	sst lr;
	_ =	strace $0xD0000000  }
0x3: {  	_ = 	snop  }
0x4: {  	_ = 	snop  }
0x5: {  	_ = 	snop  }
0x6: {  	_ = 	snop  }
0x7: {  	_ = 	snop  }
__scs_overlays_trampoline_lowered:
0x8: {  	[smem:$0x3FAD] =	sst s0  }
0x9: {  	[smem:$0x3FAE] =	sst s1  }
0xa: {  	[smem:$0x3FAF] =	sst s2  }
0xb: {  	[smem:$0x3FB0] =	sst s3  }
0xc: {  	[smem:$0x3FB1] =	sst s4  }
0xd: {  	[smem:$0x3FB2] =	sst s5  }
0xe: {  	[smem:$0x3FB3] =	sst s6  }
0xf: {  	[smem:$0x3FB4] =	sst s7  }
0x10: {  	[smem:$0x3FB5] =	sst s8  }
0x11: {  	[smem:$0x3FB6] =	sst s9;
	s0 =	simm.s32 @!p0 $0x0  }
0x12: {  	s1 =	sld [smem:$0x3F9C];
	s0 =	simm.s32 @p0 $0x1  }
0x13: {  	[smem:$0x3FB7] =	sst s0;
	s0 =	simm.s32 @!p1 $0x0  }
0x14: {  	s2 =	sld [smem:$0x3F9B];
	s0 =	simm.s32 @p1 $0x1  }
0x15: {  	[smem:$0x3FB8] =	sst s0;
	s0 =	simm.s32 @!p2 $0x0  }
0x16: {  	s3 =	sld [smem:$0x3FDB];
	s0 =	simm.s32 @p2 $0x1  }
0x17: {  	s4 =	simm.s32 $0x1BF5;
	[smem:$0x3FBA] =	sst s0  }
0x18: {  	s0 =	sld [smem:$0x3F9D];
	_ =	swait.ge [sflag:s4], $0x0  }
0x19: {  	s7 =	sld [smem:$0x3F9E]  }
0x1a: {  	s8 =	sadd.s32 $0xFFFFE003, lr  }
0x1b: {  	s9 =	sadd.s32 $0xFFFFFEF7, lr;
	s5 =	simm.s32 $0xFFFFFFFF;
	p2 =	slt.u32 s8, $0xFFFFF086  }
0x1c: {  	p1 =	slt.u32 s9, $0xF7A;
	s5 =	simm.s32 @!p2 $0x0  }
0x1d: {  	s5 =	simm.s32 @p1 $0x1;
	p0 =	seq.s32 s7, s2  }
0x1e: {  	s7 =	smul.u32 @!p0 $0xF7A, s2;
	p2 =	seq.s32 @!p0 s5, $0x0  }
0x1f: {  	s9 =	smul.u32 $0xF7A, s1;
	s8 =	simm.s32 @!p0 $0x1BF5;
	p2 =	por !p2, p0  }
0x20: {  	[sflag:s8] =	ssyncset.s32 @!p0 $0xFFFFF086;
	s6 =	sadd.s32 @!p0 s3, s7;
	s7 =	simm.s32 @!p0 $0x108  }
0x21: {  	s3 =	sadd.s32 s3, s9;
	s6 =	sadd.s32 @!p0 $0x88, s6;
	s7 =	simm.s32 @p2 $0x1082  }
0x22: {  	[simem:s7], [sflag:s8] =	dma.local @!p0 [hbm:s6], $0xF7A  }
0x23: {  	s9 =	sor.u32 $0xD0000000, s2;
	s6 =	simm.s32 $0x108;
	_ =	swait.ge @!p0 [sflag:s8], $0x0  }
0x24: {  	s3 =	sadd.s32 $0x88, s3;
	s6 =	simm.s32 @!p1 $0x1082;
	[sflag:s4] =	ssyncset.s32 $0xFFFFF086  }
0x25: {  	[simem:s6], [sflag:s4] =	dma.local [hbm:s3], $0xF7A  }
0x26: {  	[smem:$0x3F9E] =	sst s1;
	(tag) =	ssettag s2;
	_ =	strace s9  }
0x27: {  	s1 =	sld [smem:$0x3FAE]  }
0x28: {  	s2 =	sld [smem:$0x3FAF]  }
0x29: {  	s4 =	sld [smem:$0x3FB1]  }
0x2a: {  	p0 =	seq.s32 s5, $0x0;
	s5 =	sld [smem:$0x3FB2]  }
0x2b: {  	s6 =	sld [smem:$0x3FB3]  }
0x2c: {  	s7 =	sld [smem:$0x3FB4]  }
0x2d: {  	s3 =	simm.s32 $0x108;
	s8 =	sld [smem:$0x3FB5]  }
0x2e: {  	s3 =	simm.s32 @!p0 $0x1082;
	s9 =	sld [smem:$0x3FB6]  }
0x2f: {  	lr =	sadd.s32 s0, s3;
	s0 =	sld [smem:$0x3FAD]  }
0x30: {  	s3 =	sld [smem:$0x3FB0]  }
0x31: {  	[smem:$0x3FB9] =	sst s10  }
0x32: {  	s10 =	sld [smem:$0x3FB7];
	_ =	sdelay $0x3  }
0x33: {  	p0 =	seq.s32 s10, $0x1;
	s10 =	sld [smem:$0x3FB9];
	_ =	sdelay $0x3  }
0x34: {  	[smem:$0x3FB9] =	sst s10  }
0x35: {  	s10 =	sld [smem:$0x3FB8];
	_ =	sdelay $0x3  }
0x36: {  	p1 =	seq.s32 s10, $0x1;
	s10 =	sld [smem:$0x3FB9];
	_ =	sdelay $0x3  }
0x37: {  	[smem:$0x3FB9] =	sst s10  }
0x38: {  	s10 =	sld [smem:$0x3FBA]  }
0x39: {  	_ = 	snop;
	(pc) =	sbr.ind lr, $3  }
0x3a: {  	_ = 	snop  }
0x3b: {  	_ = 	snop  }
0x3c: {  	p2 =	seq.s32 s10, $0x1;
	s10 =	sld [smem:$0x3FB9]  }
0x3d: {  	_ =	shalt  }
0x3e: {  	_ =	shalt  }
0x3f: {  	_ =	shalt  }
0x40: {  	_ =	shalt  }
0x41: {  	_ =	shalt  }
0x42: {  	_ =	shalt  }
0x43: {  	_ =	shalt  }
0x44: {  	_ =	shalt  }
0x45: {  	_ =	shalt  }
0x46: {  	_ =	shalt  }
0x47: {  	_ =	shalt  }
0x48: {  	_ =	shalt  }
0x49: {  	_ =	shalt  }
0x4a: {  	_ =	shalt  }
0x4b: {  	_ =	shalt  }
0x4c: {  	_ =	shalt  }
0x4d: {  	_ =	shalt  }
0x4e: {  	_ =	shalt  }
0x4f: {  	_ =	shalt  }
0x50: {  	_ =	shalt  }
0x51: {  	_ =	shalt  }
0x52: {  	_ =	shalt  }
0x53: {  	_ =	shalt  }
0x54: {  	_ =	shalt  }
0x55: {  	_ =	shalt  }
0x56: {  	_ =	shalt  }
0x57: {  	_ =	shalt  }
0x58: {  	_ =	shalt  }
0x59: {  	_ =	shalt  }
0x5a: {  	_ =	shalt  }
0x5b: {  	_ =	shalt  }
0x5c: {  	_ =	shalt  }
0x5d: {  	_ =	shalt  }
0x5e: {  	_ =	shalt  }
0x5f: {  	_ =	shalt  }
0x60: {  	_ =	shalt  }
0x61: {  	_ =	shalt  }
0x62: {  	_ =	shalt  }
0x63: {  	_ =	shalt  }
0x64: {  	_ =	shalt  }
0x65: {  	_ =	shalt  }
0x66: {  	_ =	shalt  }
0x67: {  	_ =	shalt  }
0x68: {  	_ =	shalt  }
0x69: {  	_ =	shalt  }
0x6a: {  	_ =	shalt  }
0x6b: {  	_ =	shalt  }
0x6c: {  	_ =	shalt  }
0x6d: {  	_ =	shalt  }
0x6e: {  	_ =	shalt  }
0x6f: {  	_ =	shalt  }
0x70: {  	_ =	shalt  }
0x71: {  	_ =	shalt  }
0x72: {  	_ =	shalt  }
0x73: {  	_ =	shalt  }
0x74: {  	_ =	shalt  }
0x75: {  	_ =	shalt  }
0x76: {  	_ =	shalt  }
0x77: {  	_ =	shalt  }
0x78: {  	_ =	shalt  }
0x79: {  	_ =	shalt  }
0x7a: {  	_ =	shalt  }
0x7b: {  	_ =	shalt  }
0x7c: {  	_ =	shalt  }
0x7d: {  	_ =	shalt  }
0x7e: {  	_ =	shalt  }
0x7f: {  	_ =	shalt  }
0x80: {  	_ =	shalt  }
0x81: {  	_ =	shalt  }
0x82: {  	_ =	shalt  }
0x83: {  	_ =	shalt  }
0x84: {  	_ =	shalt  }
0x85: {  	_ =	shalt  }
0x86: {  	_ =	shalt  }
0x87: {  	_ =	shalt  }
.Lfunc_end0:
.L_simem_size_0:
called_computation_lowered:
.L_overlay_start_0:
0x88: {  	s0 =	sld [smem:$0x3FD9]  }
0x89: {  	s1 =	sld [smem:$0x3FFE];
	_ =	sdelay $0x3  }
0x8a: {  	s0 =	sadd.s32 s1, s0  }
0x8b: {  	[smem:$0x3FC5] =	sst s0  }
0x8c: {  	_ = 	snop  }
0x8d: {  	s0 =	sld [smem:$0x3FD0]  }
0x8e: {  	s13 =	sld [smem:$0x3FC9]  }
0x8f: {  	s2 =	sld [smem:$0x3FC8]  }
0x90: {  	s4 =	simm.s32 $0xA;
	s5 =	simm.s32 $0x10;
	s3 =	sld [smem:$0x3FC7]  }
0x91: {  	[smem:s5], [sflag:s4] =	dma.local [hbm:s0], $0x1  }
0x92: {  	_ =	swait.eq [sflag:s4], $0x1  }
0x93: {  	[sflag:s4] =	ssyncset.done $0x0  }
0x94: {  	s14 =	sld [smem:$0x10];
	[sflag:s4] =	ssyncadd.s32 $0xFFFFFFFF  }
0x95: {  	s15 =	sld [smem:$0x11];
	(tm) =	ssettm $0x1  }
0x96: {  	s16 =	sld [smem:$0x3FFB];
	_ =	sdelay $0x3  }
0x97: {  	_ =	strace s16  }
0x98: {  	s5 =	sld [smem:$0x3FFC];
	_ =	sdelay $0x3  }
0x99: {  	_ =	strace s5  }
0x9a: {  	s5 =	sld [smem:$0x3FFD];
	_ =	sdelay $0x3  }
0x9b: {  	_ =	strace s5  }
0x9c: {  	_ =	strace $0x8FFFFFFF  }
0x9d: {  	s17 =	sld [smem:$0x3FDB];
	_ =	sdelay $0x1  }
0x9e: {  	s6 =	simm.s32 $_scs_section_size  }
0x9f: {  	s7 =	simm.s32 $_size__tile_overlayer_lowered;
	s8 =	simm.s32 $_tile_overlayer_lowered  }
0xa0: {  	s20 =	simm.s32 $0x1BFF;
	s19 =	sshll.u32 s8, $0x1;
	s5 =	sadd.s32 s6, s17  }
0xa1: {  	s9 =	simm.s32 $0x0;
	s18 =	sshll.u32 s7, $0x1;
	s7 =	sadd.s32 s19, s5  }
0xa2: {  	[timem:s9], [sflag:s20] =	dma.local [hbm:s7], s18  }
0xa3: {  	_ =	swait.ge [sflag:s20], s18  }
0xa4: {  	s6 =	ssub.s32 $0x0, s18;
	[sflag:s20] =	ssyncset.done $0x0  }
0xa5: {  	[sflag:s20] =	ssyncadd.s32 s6;
	_ =	sdelay $0x1  }
0xa6: {  	s21 =	simm.s32 $0x1B8B  }
0xa7: {  	_ =	swait.ge [sflag:s21], $0x1  }
0xa8: {  	[sflag:s21] =	ssyncset.done $0x0  }
0xa9: {  	s23 =	simm.s32 $0x1B8E;
	s22 =	sld [smem:$0x3FFE];
	[sflag:s21] =	ssyncadd.s32 $0xFFFFFFFF  }
0xaa: {  	s24 =	simm.s32 $execute0_lowered;
	[smem:$0x3FD2] =	sst s23  }
0xab: {  	s7 =	sshll.u32 s24, $0x1;
	_ =	strace $0x80000046;
	[dreg:$0x1] =	wrdreg $0xFFFFFFFF  }
0xac: {  	s25 =	simm.s32 $_size_execute0_lowered;
	s5 =	sadd.s32 s5, s7;
	[dreg:$0x0] =	wrdreg $0x0  }
0xad: {  	s7 =	sshll.u32 s25, $0x1;
	[dreg:$0x2] =	wrdreg s5  }
0xae: {  	[dreg:$0x3] =	wrdreg s7  }
0xaf: {  	[dreg:$0x4] =	wrdreg $0xC0  }
0xb0: {  	_ =	task [dreg:s9], $0x5FFFF  }
0xb1: {  	[dreg:$0x1] =	wrdreg $0xFFFFFFFF  }
0xb2: {  	[dreg:$0x0] =	wrdreg $0x60  }
0xb3: {  	[dreg:$0x2] =	wrdreg s13  }
0xb4: {  	[dreg:$0x3] =	wrdreg s2  }
0xb5: {  	[dreg:$0x4] =	wrdreg s3  }
0xb6: {  	[dreg:$0x5] =	wrdreg s14  }
0xb7: {  	[dreg:$0x6] =	wrdreg s15  }
0xb8: {  	[dreg:$0x7] =	wrdreg s22  }
0xb9: {  	[dreg:$0x8] =	wrdreg $0x9  }
0xba: {  	_ =	task.clear_ibuf [dreg:s9], $0x9FFFF;
	_ =	strace $0x90000046  }
0xbb: {  	s26 =	simm.s32 $0x9;
	_ =	strace $0x80000048  }
0xbc: {  	_ =	swait.ge [sflag:s26], $0x1  }
0xbd: {  	[sflag:s26] =	ssyncadd.s32 $0xFFFFFFFF  }
0xbe: {  	_ =	strace $0x90000048  }
0xbf: {  	_ =	sfence  }
0xc0: {  	s28 =	sld [smem:$0x0];
	_ =	sdelay $0x1  }
0xc1: {  	s29 =	srdreg.scid  }
0xc2: {  	s30 =	sshll.u32 s29, $0xD;
	s31 =	sshrl.u32 s29, $0x2  }
0xc3: {  	s1 =	sand.u32 $0x1, s29;
	s2 =	sand.u32 $0x4000, s30;
	s0 =	sadd.s32 s31, s28  }
0xc4: {  	s1 =	sor.u32 s2, s1;
	s0 =	sshll.u32 s0, $0x11  }
0xc5: {  	s0 =	sor.u32 s0, s1  }
0xc6: {  	s0 =	sadd.s32 $0x8F2B, s0  }
0xc7: {  	[sflag:s0] =	ssyncadd.remote.s32 $0x1  }
0xc8: {  	_ =	sfence.sel $0xFFFF  }
0xc9: {  	[dreg:$0x0] =	wrdreg $0xFFFFFFFF;
	(pc) =	sbr.abs _section_cstart, $3  }
0xca: {  	[dreg:$0x1] =	wrdreg $0xFFFFFFFF  }
0xcb: {  	_ =	task.clear_ibuf [dreg:s9], $0x2FFFF;
	_ =	strace $0x9FFFFFFF  }
0xcc: {  	(tm) =	ssettm $0x7FFFFFFF  }
0xcd: {  	_ =	shalt  }
tec
execute0_lowered:
.L_overlay_start_1:
0x0: {  	(tag) =	ssettag $0x1  }
0x1: {  	s3 =	rddreg [dreg:$0x0]  }
0x2: {  	s6 =	rddreg [dreg:$0x1]  }
0x3: {  	s7 =	rddreg [dreg:$0x2]  }
0x4: {  	s8 =	rddreg [dreg:$0x3]  }
0x5: {  	s1 =	rddreg [dreg:$0x4];
	s2 =	stileid.u32  }
0x6: {  	s5 =	rddreg [dreg:$0x5];
	s4 =	simm.s32 $0x0;
	s9 =	sshll.u32 s2, $0x3  }
0x7: {  	[smem:$0x7FF] =	sst s4;
	s10 =	sand.u32 $0x70, s9  }
0x8: {  	s0 =	rddreg [dreg:$0x6];
	_ =	strace $0x80000047;
	s3 =	sadd.s32 s3, s10  }
0x9: {  	[tilespmem:s4], [sflag:$0x1] =	stream.linear.gather [hbm4b:s3+s4], $0x80, $0x38;
	[tilespmem:$0xD80] =	vst v63  }
0xa: {  	s23 =	simm.s32 $0x80;
	s24 =	simm.s32 $0x1;
	s22 =	sadd.s32 s6, s10  }
0xb: {  	[tilespmem:s23], [sflag:$0x2] =	stream.linear.gather [hbm4b:s22+s4], $0x80, $0x38;
	[tilespmem:$0xD80] =	vst v63  }
0xc: {  	_ =	swait.ge [sflag:s24], $0x80  }
0xd: {  	s25 =	simm.s32 $0x8;
	[sflag:s24] =	ssyncset.done $0x0  }
0xe: {  	s26 =	simm.s32 $0x100;
	s3 =	sand.u32 $0x8, s9;
	[sflag:s24] =	ssyncadd.s32 $0xFFFFFF80  }
0xf: {  	[tilespmem:s26], [sflag:$0x1] =	stream.indirect.gather [hbm4b:s7+s25], $0x80, s3, s25, $0xb8;
	[tilespmem:$0xD80] =	vst v63  }
0x10: {  	_ =	swait.ge [sflag:s24], $0x400  }
0x11: {  	s28 =	sshll.u32 s2, $0x7;
	[sflag:s24] =	ssyncset.done $0x0  }
0x12: {  	s29 =	simm.s32 $0x140;
	s7 =	sadd.s32 s8, s28;
	[sflag:s24] =	ssyncadd.s32 $0xFFFFFC00  }
0x13: {  	[hbm4b:s7+s4] =	stream.linear.scatter [tilespmem:s26], [sflag:$0x3], $0x400, $0x38;
	[tilespmem:$0xD80] =	vst v63  }
0x14: {  	v1 =	vld [tilespmem:s29+$0xFFFFFFC0]  }
0x15: {  	v2 =	vld [tilespmem:s29+$0xFFFFFFD0]  }
0x16: {  	v3 =	vld [tilespmem:s29+$0xFFFFFFE0]  }
0x17: {  	v4 =	vld [tilespmem:s29+$0xFFFFFFF0]  }
0x18: {  	v9 =	vld [tilespmem:s29+$0x0]  }
0x19: {  	v10 =	vld [tilespmem:s29+$0x10]  }
0x1a: {  	v12 =	vld [tilespmem:s29+$0x20];
	v0 =	vmax.f32 v1, v2  }
0x1b: {  	v13 =	vld [tilespmem:s29+$0x30];
	v0 =	vmax.f32 v0, v3  }
0x1c: {  	v0 =	vmax.f32 v0, v4  }
0x1d: {  	v0 =	vmax.f32 v0, v9  }
0x1e: {  	v0 =	vmax.f32 v0, v10  }
0x1f: {  	v0 =	vmax.f32 v0, v12  }
0x20: {  	v0 =	vmax.f32 v0, v13  }
0x21: {  	s30 =	simm.s32 $0x1C0;
	(xrf0) =	vmax.scan.msk.f32 $0xffff, v0  }
0x22: {  	v14 =	vld [tilespmem:s30+$0xFFFFFFC0]  }
0x23: {  	v15 =	vld [tilespmem:s30+$0xFFFFFFD0]  }
0x24: {  	v16 =	vld [tilespmem:s30+$0xFFFFFFE0]  }
0x25: {  	v18 =	vld [tilespmem:s30+$0xFFFFFFF0]  }
0x26: {  	v19 =	vld [tilespmem:s30+$0x0]  }
0x27: {  	v20 =	vld [tilespmem:s30+$0x10];
	v0, _, _ =	vpop (xrf0)  }
0x28: {  	v21 =	vld [tilespmem:s30+$0x20];
	v5 =	vmax.f32 v14, v15;
	v0 =	vbroadcast v0, $0xF  }
0x29: {  	v8 =	vld [tilespmem:s30+$0x30];
	v5 =	vmax.f32 v5, v16  }
0x2a: {  	v5 =	vmax.f32 v5, v18;
	v1 =	vsub.f32 v1, v0  }
0x2b: {  	v5 =	vmax.f32 v5, v19;
	v2 =	vsub.f32 v2, v0  }
0x2c: {  	v5 =	vmax.f32 v5, v20;
	v1 =	vmul.f32 $1.442695020e+00, v1  }
0x2d: {  	v6 =	vmax.f32 v5, v21;
	v3 =	vsub.f32 v3, v0;
	v2 =	vmul.f32 $1.442695020e+00, v2  }
0x2e: {  	s31 =	simm.s32 $0x240;
	v7 =	vmax.f32 v6, v8;
	(erf) = vpow2.f32 v1  }
0x2f: {  	v5 =	vld [tilespmem:s31+$0xFFFFFFC0];
	v3 =	vmul.f32 $1.442695020e+00, v3;
	v1 =	vsub.f32 v4, v0;
	(erf) = vpow2.f32 v2  }
0x30: {  	v6 =	vld [tilespmem:s31+$0xFFFFFFD0];
	(xrf0) =	vmax.scan.msk.f32 $0xffff, v7;
	v2 =	vsub.f32 v9, v0  }
0x31: {  	v7 =	vld [tilespmem:s31+$0xFFFFFFE0];
	v1 =	vmul.f32 $1.442695020e+00, v1;
	(erf) = vpow2.f32 v3  }
0x32: {  	v11 =	vld [tilespmem:s31+$0xFFFFFFF0];
	v2 =	vmul.f32 $1.442695020e+00, v2  }
0x33: {  	v3 =	vsub.f32 v10, v0;
	(erf) = vpow2.f32 v1  }
0x34: {  	v4 =	vsub.f32 v12, v0  }
0x35: {  	v9 =	vld [tilespmem:s31+$0x0];
	v1 =	vmax.f32 v5, v6;
	v3 =	vmul.f32 $1.442695020e+00, v3;
	(erf) = vpow2.f32 v2  }
0x36: {  	v1 =	vmax.f32 v1, v7;
	v2, _, _ =	vpop (xrf0)  }
0x37: {  	v4 =	vmul.f32 $1.442695020e+00, v4;
	(erf) = vpow2.f32 v3;
	v3 =	vmax.f32 v1, v11;
	v22 =	vpop (erf)  }
0x38: {  	v17 =	vsub.f32 v13, v0;
	v12 =	vld [tilespmem:s31+$0x10];
	v1 =	vbroadcast v2, $0xF;
	v2 =	vpop (erf)  }
0x39: {  	v13 =	vld [tilespmem:s31+$0x20];
	(erf) = vpow2.f32 v4;
	v22 =	vadd.f32 v2, v22  }
0x3a: {  	v17 =	vmul.f32 $1.442695020e+00, v17;
	v10 =	vld [tilespmem:s31+$0x30];
	v4 =	vmax.f32 v3, v9;
	v23 =	vsub.f32 v15, v1;
	v3 =	vpop (erf)  }
0x3b: {  	v14 =	vsub.f32 v14, v1;
	v22 =	vadd.f32 v3, v22  }
0x3c: {  	(erf) = vpow2.f32 v17;
	v23 =	vmul.f32 $1.442695020e+00, v23;
	v24 =	vpop (erf)  }
0x3d: {  	s9 =	simm.s32 $0x2C0;
	v4 =	vmax.f32 v4, v12;
	v14 =	vmul.f32 $1.442695020e+00, v14;
	v22 =	vadd.f32 v24, v22  }
0x3e: {  	v17 =	vld [tilespmem:s9+$0xFFFFFFD0];
	v4 =	vmax.f32 v4, v13;
	v25 =	vpop (erf);
	v24 =	vsub.f32 v16, v1  }
0x3f: {  	v15 =	vld [tilespmem:s9+$0xFFFFFFC0];
	v4 =	vmax.f32 v4, v10;
	(erf) = vpow2.f32 v14;
	v14 =	vadd.f32 v25, v22  }
0x40: {  	v26 =	vsub.f32 v18, v1;
	v16 =	vld [tilespmem:s9+$0xFFFFFFE0];
	(erf) = vpow2.f32 v23;
	v23 =	vpop (erf);
	v22 =	vmul.f32 $1.442695020e+00, v24  }
0x41: {  	v19 =	vsub.f32 v19, v1;
	(xrf0) =	vmax.scan.msk.f32 $0xffff, v4;
	v14 =	vadd.f32 v23, v14  }
0x42: {  	v18 =	vld [tilespmem:s9+$0xFFFFFFF0];
	v24 =	vmul.f32 $1.442695020e+00, v26;
	(erf) = vpow2.f32 v22;
	v23 =	vsub.f32 v20, v1;
	v20 =	vpop (erf)  }
0x43: {  	v14 =	vadd.f32 v20, v14  }
0x44: {  	v25 =	vmul.f32 $1.442695020e+00, v19;
	v22 =	vmax.f32 v15, v17;
	(erf) = vpow2.f32 v24;
	v20 =	vld [tilespmem:s9+$0x0]  }
0x45: {  	v2 =	vimm.f32 $0.0e+00;
	v24 =	vmax.f32 v22, v16;
	v22 =	vsub.f32 v21, v1;
	v21 =	vpop (erf)  }
0x46: {  	s5 =	sadd.s32 $0x800, s5;
	s6 =	simm.s32 $0x1;
	v19 =	vld [tilespmem:s9+$0x10];
	v23 =	vmul.f32 $1.442695020e+00, v23;
	(erf) = vpow2.f32 v25;
	v21 =	vadd.f32 v21, v14  }
0x47: {  	s10 =	simm.s32 $0x4;
	s8 =	simm.s32 $0x3;
	s7 =	simm.s32 $0x2;
	v4 =	vlaneseq.u32;
	v3 =	vimm.f32 $1.000000000e+00;
	v24 =	vmax.f32 v24, v18;
	v14, _, _ =	vpop (xrf0)  }
.LBB2_1:
0x48: {  	p0 =	sne.s32 s10, $0x7;
	v25 =	vld [tilespmem:s9+$0x20];
	v22 =	vmul.f32 $1.442695020e+00, v22;
	v28 =	vsub.f32 v8, v1;
	v26 =	vpop (erf);
	(erf) = vpow2.f32 v23;
	(xrf2) =	vadd.scan.msk.f32 $0xffff, v21  }
0x49: {  	v27 =	vmov v1;
	v1 =	vbroadcast v14, $0xF;
	v21 =	vmax.f32 v24, v20;
	v23 =	vpop (erf)  }
0x4a: {  	v8 =	vmovc v10;
	v14 =	vadd.f32 v23, v26;
	v28 =	vmul.f32 $1.442695020e+00, v28;
	(erf) = vpow2.f32 v22;
	v10 =	vld [tilespmem:s9+$0x30]  }
0x4b: {  	v22 =	vsub.f32 v5, v1;
	v5 =	vmov v15;
	v21 =	vmax.f32 v21, v19;
	v24 =	vpop (erf)  }
0x4c: {  	s9 =	sadd.s32 $0x80, s9;
	v26 =	vsub.f32 v6, v1;
	v6 =	vmovc v17;
	v14 =	vadd.f32 v24, v14;
	(erf) = vpow2.f32 v28  }
0x4d: {  	v22 =	vmul.f32 $1.442695020e+00, v22;
	v24 =	vmov s4;
	s4 =	smov.u32 s6;
	s6 =	smov.u32 s7;
	s7 =	smov.u32 s8;
	v15 =	vld [tilespmem:s9+$0xFFFFFFC0];
	v21 =	vmax.f32 v21, v25;
	v23 =	vpop (erf)  }
0x4e: {  	v29 =	vmul.f32 $1.442695020e+00, v26;
	v28 =	vsub.f32 v7, v1;
	v7 =	vmovc v16;
	s8 =	smov.u32 s10;
	v17 =	vld [tilespmem:s9+$0xFFFFFFD0];
	v14 =	vadd.f32 v23, v14  }
0x4f: {  	v23 =	vsub.f32 v11, v1;
	v21 =	vmax.f32 v21, v10;
	(erf) = vpow2.f32 v22;
	v11 =	vpop (erf)  }
0x50: {  	v22 =	vmul.f32 $1.442695020e+00, v28;
	v16 =	vld [tilespmem:s9+$0xFFFFFFE0];
	(erf) = vpow2.f32 v29;
	v14 =	vadd.f32 v11, v14;
	v11 =	vmovc v18  }
0x51: {  	vm0 =	veq.s32 v24, v4;
	(xrf0) =	vmax.scan.msk.f32 $0xffff, v21;
	v21 =	vsub.f32 v9, v1;
	v26 =	vpop (erf);
	v9 =	vmov v20  }
0x52: {  	v23 =	vmul.f32 $1.442695020e+00, v23;
	v18 =	vld [tilespmem:s9+$0xFFFFFFF0];
	(erf) = vpow2.f32 v22;
	v14 =	vadd.f32 v26, v14;
	v20, _, _ =	vpop (xrf2)  }
.Ltmp0:
0x53: {  	v24 =	vsub.f32 v12, v1;
	v22 =	vmax.f32 v15, v17;
	v12 =	vpop (erf);
	v26 =	vbroadcast v20, $0xF;
	(pc) =	sbr.rel @p0 .LBB2_1-.Ltmp0, $4  }
0x54: {  	v21 =	vmul.f32 $1.442695020e+00, v21;
	v20 =	vld [tilespmem:s9+$0x0];
	(erf) = vpow2.f32 v23;
	v29 =	vadd.f32 v12, v14;
	v12 =	vmovc v19  }
0x55: {  	v28 =	vmax.f32 v22, v16;
	v22 =	vsub.f32 v13, v1;
	v13 =	vpop (erf);
	v3 =	vsel vm0, v26, v3  }
0x56: {  	v23 =	vmul.f32 $1.442695020e+00, v24;
	v19 =	vld [tilespmem:s9+$0x10];
	(erf) = vpow2.f32 v21;
	v21 =	vadd.f32 v13, v29;
	v13 =	vmovc v25  }
0x57: {  	s10 =	sadd.s32 $0x1, s10;
	v2 =	vsel vm0, v0, v2;
	v0 =	vmov v27;
	v24 =	vmax.f32 v28, v18;
	v14, _, _ =	vpop (xrf0)  }
0x58: {  	v25 =	vld [tilespmem:s9+$0x20]  }
0x59: {  	v26 =	vld [tilespmem:s9+$0x30];
	_ =	sdelay $0x1  }
0x5a: {  	v24 =	vmax.f32 v24, v20  }
0x5b: {  	v24 =	vmax.f32 v24, v19  }
0x5c: {  	v24 =	vmax.f32 v24, v25  }
0x5d: {  	v14 =	vbroadcast v14, $0xF;
	v8 =	vsub.f32 v8, v1;
	v24 =	vmax.f32 v24, v26  }
0x5e: {  	v22 =	vmul.f32 $1.442695020e+00, v22;
	(xrf0) =	vmax.scan.msk.f32 $0xffff, v24  }
0x5f: {  	(erf) = vpow2.f32 v23;
	v5 =	vsub.f32 v5, v14;
	v8 =	vmul.f32 $1.442695020e+00, v8  }
0x60: {  	v6 =	vsub.f32 v6, v14;
	(erf) = vpow2.f32 v22;
	v7 =	vsub.f32 v7, v14  }
0x61: {  	v35 =	vsub.f32 v11, v14;
	v5 =	vmul.f32 $1.442695020e+00, v5;
	(erf) = vpow2.f32 v8  }
0x62: {  	v38 =	vsub.f32 v9, v14;
	v6 =	vmul.f32 $1.442695020e+00, v6;
	v36 =	vmul.f32 $1.442695020e+00, v7  }
0x63: {  	v37 =	vpop (erf);
	v8 =	vmul.f32 $1.442695020e+00, v35;
	(erf) = vpow2.f32 v5  }
0x64: {  	v39 =	vsub.f32 v12, v14;
	(erf) = vpow2.f32 v6;
	v6 =	vmul.f32 $1.442695020e+00, v38;
	v40, _, _ =	vpop (xrf0)  }
0x65: {  	v41 =	vpop (erf);
	v42 =	vsub.f32 v13, v14;
	(erf) = vpow2.f32 v36;
	v5 =	vbroadcast v40, $0xF  }
0x66: {  	v45 =	vsub.f32 v10, v14;
	v43 =	vpop (erf);
	v44 =	vmul.f32 $1.442695020e+00, v39;
	(erf) = vpow2.f32 v8  }
0x67: {  	v47 =	vmul.f32 $1.442695020e+00, v42;
	v46 =	vpop (erf);
	(erf) = vpow2.f32 v6;
	v48 =	vsub.f32 v15, v5  }
0x68: {  	v50 =	vmul.f32 $1.442695020e+00, v45;
	v49 =	vpop (erf);
	(erf) = vpow2.f32 v44;
	v51 =	vsub.f32 v17, v5  }
0x69: {  	v52 =	vpop (erf);
	(erf) = vpow2.f32 v47;
	v53 =	vmul.f32 $1.442695020e+00, v48  }
0x6a: {  	v54 =	vpop (erf);
	(erf) = vpow2.f32 v50;
	v56 =	vsub.f32 v16, v5;
	v55 =	vmul.f32 $1.442695020e+00, v51  }
0x6b: {  	v57 =	vpop (erf);
	(erf) = vpow2.f32 v53  }
0x6c: {  	v58 =	vpop (erf);
	v18 =	vsub.f32 v18, v5;
	v9 =	vmul.f32 $1.442695020e+00, v56;
	(erf) = vpow2.f32 v55  }
0x6d: {  	v59 =	vpop (erf)  }
0x6e: {  	v61 =	vsub.f32 v20, v5;
	v60 =	vpop (erf);
	v18 =	vmul.f32 $1.442695020e+00, v18;
	(erf) = vpow2.f32 v9  }
0x6f: {  	v62 =	vpop (erf)  }
0x70: {  	v28 =	vsub.f32 v19, v5;
	v20 =	vmul.f32 $1.442695020e+00, v61;
	v63 =	vpop (erf);
	(erf) = vpow2.f32 v18  }
0x71: {  	v29 =	vpop (erf)  }
0x72: {  	v25 =	vsub.f32 v25, v5;
	v19 =	vmul.f32 $1.442695020e+00, v28;
	v30 =	vpop (erf);
	(erf) = vpow2.f32 v20  }
0x73: {  	v7 =	vadd.f32 v41, v37;
	v31 =	vpop (erf)  }
0x74: {  	v33 =	vsub.f32 v26, v5;
	v32 =	vmul.f32 $1.442695020e+00, v25;
	(erf) = vpow2.f32 v19;
	v34 =	vpop (erf)  }
0x75: {  	v7 =	vadd.f32 v43, v7;
	v6 =	vadd.f32 v59, v58;
	v35 =	vpop (erf)  }
0x76: {  	v36 =	vmul.f32 $1.442695020e+00, v33;
	(erf) = vpow2.f32 v32;
	v8 =	vadd.f32 v35, v34  }
0x77: {  	v6 =	vadd.f32 v60, v6;
	v37 =	vpop (erf)  }
0x78: {  	v7 =	vadd.f32 v46, v7;
	(erf) = vpow2.f32 v36;
	v8 =	vadd.f32 v37, v8  }
0x79: {  	v6 =	vadd.f32 v62, v6;
	v38 =	vpop (erf)  }
0x7a: {  	v7 =	vadd.f32 v49, v7;
	v8 =	vadd.f32 v38, v8  }
0x7b: {  	v6 =	vadd.f32 v63, v6;
	v39 =	vpop (erf)  }
0x7c: {  	v7 =	vadd.f32 v52, v7;
	v8 =	vadd.f32 v39, v8  }
0x7d: {  	v6 =	vadd.f32 v29, v6;
	v40 =	vpop (erf)  }
0x7e: {  	v7 =	vadd.f32 v54, v7;
	v8 =	vadd.f32 v40, v8  }
0x7f: {  	v6 =	vadd.f32 v30, v6;
	v41 =	vpop (erf)  }
0x80: {  	v7 =	vadd.f32 v57, v7;
	v8 =	vadd.f32 v41, v8  }
0x81: {  	(xrf2) =	vadd.scan.msk.f32 $0xffff, v21;
	v6 =	vadd.f32 v31, v6;
	v42 =	vpop (erf)  }
0x82: {  	(xrf2) =	vadd.scan.msk.f32 $0xffff, v7;
	v7 =	vadd.f32 v42, v8  }
0x83: {  	(xrf2) =	vadd.scan.msk.f32 $0xffff, v6  }
0x84: {  	(xrf2) =	vadd.scan.msk.f32 $0xffff, v7;
	_ =	sdelay $0x6  }
0x85: {  	v45 =	vmov s4;
	v43, _, _ =	vpop (xrf2)  }
0x86: {  	vm0 =	veq.s32 v45, v4;
	v46 =	vmov s6;
	v44, _, _ =	vpop (xrf2);
	v6 =	vbroadcast v43, $0xF  }
0x87: {  	vm1 =	veq.s32 v46, v4;
	v48 =	vmov s7;
	v47, _, _ =	vpop (xrf2);
	v7 =	vbroadcast v44, $0xF  }
0x88: {  	v51 =	vmov s8;
	v3 =	vsel vm0, v6, v3;
	v49 =	vbroadcast v47, $0xF;
	v50, _, _ =	vpop (xrf2)  }
0x89: {  	vm2 =	veq.s32 v48, v4;
	v3 =	vsel vm1, v7, v3;
	v8 =	vbroadcast v50, $0xF  }
0x8a: {  	vm3 =	veq.s32 v51, v4;
	v3 =	vsel vm2, v49, v3  }
0x8b: {  	v3 =	vsel vm3, v8, v3  }
0x8c: {  	v52 =	vand.u32 $0x7FFFFF, v3  }
0x8d: {  	v4 =	vor.u32 $0x3F800000, v52  }
0x8e: {  	v4 =	vadd.f32 $-1.000000000e+00, v4;
	_ =	sdelay $0x1  }
0x8f: {  	v53 =	vmul.f32 $-2.500000000e-01, v4;
	_ =	sdelay $0x1  }
0x90: {  	v6 =	vadd.f32 $3.333333430e-01, v53;
	_ =	sdelay $0x1  }
0x91: {  	v6 =	vmul.f32 v6, v4;
	_ =	sdelay $0x1  }
0x92: {  	v6 =	vadd.f32 $-5.000000000e-01, v6;
	_ =	sdelay $0x1  }
0x93: {  	v54 =	vshra.s32 v3, $0x17;
	v6 =	vmul.f32 v6, v4  }
0x94: {  	v7 =	vadd.s32 $0xFFFFFF81, v54  }
0x95: {  	v7 =	vcvt.s32.f32 v7;
	v6 =	vadd.f32 $1.000000000e+00, v6;
	_ =	sdelay $0x1  }
0x96: {  	v7 =	vmul.f32 $6.931471820e-01, v7;
	v4 =	vmul.f32 v6, v4;
	_ =	sdelay $0x1  }
0x97: {  	v4 =	vadd.f32 v4, v7;
	_ =	sdelay $0x1  }
0x98: {  	v55 =	vsub.f32 $0.0e+00, v4;
	_ =	sdelay $0x1  }
0x99: {  	s24 =	simm.s32 $0x2;
	v6 =	vmul.f32 $1.442695020e+00, v55  }
0x9a: {  	_ =	swait.ge [sflag:s24], $0x80  }
0x9b: {  	(erf) = vpow2.f32 v6;
	_ =	sdelay $0x8  }
0x9c: {  	v6 =	vpop (erf)  }
0x9d: {  	v6 =	vmul.f32 v6, v3;
	_ =	sdelay $0x1  }
0x9e: {  	v4 =	vadd.f32 v6, v4;
	_ =	sdelay $0x1  }
0x9f: {  	v4 =	vadd.f32 $-1.000000000e+00, v4;
	_ =	sdelay $0x1  }
0xa0: {  	v56 =	vsub.f32 $0.0e+00, v4;
	_ =	sdelay $0x1  }
0xa1: {  	v6 =	vmul.f32 $1.442695020e+00, v56;
	_ =	sdelay $0x1  }
0xa2: {  	(erf) = vpow2.f32 v6;
	_ =	sdelay $0x8  }
0xa3: {  	v6 =	vpop (erf)  }
0xa4: {  	v6 =	vmul.f32 v6, v3;
	_ =	sdelay $0x1  }
0xa5: {  	v4 =	vadd.f32 v6, v4;
	_ =	sdelay $0x1  }
0xa6: {  	v4 =	vadd.f32 $-1.000000000e+00, v4;
	_ =	sdelay $0x1  }
0xa7: {  	v57 =	vsub.f32 $0.0e+00, v4;
	_ =	sdelay $0x1  }
0xa8: {  	v6 =	vmul.f32 $1.442695020e+00, v57  }
0xa9: {  	[sflag:s24] =	ssyncset.done $0x0  }
0xaa: {  	[sflag:s24] =	ssyncadd.s32 $0xFFFFFF80;
	(erf) = vpow2.f32 v6  }
0xab: {  	v58 =	vld [tilespmem:$0x80];
	_ =	sdelay $0x1  }
0xac: {  	v59 =	vlaneseq.u32  }
0xad: {  	v7 =	vand.u32 $0x7, v59  }
0xae: {  	v60 =	vor.u32 s3, v7  }
0xaf: {  	v7 =	vmul.u32 $0x80, v7;
	v6 =	vperm.xlane v58, v60;
	_ =	sdelay $0x1  }
0xb0: {  	v6 =	vadd.s32 v7, v6  }
0xb1: {  	v61 =	vpop (erf)  }
0xb2: {  	v3 =	vmul.f32 v61, v3;
	_ =	sdelay $0x1  }
0xb3: {  	s25 =	simm.s32 $0x100;
	v0 =	vsel vm0, v0, v2;
	v62 =	vadd.f32 v3, v4  }
0xb4: {  	v0 =	vsel vm1, v1, v0;
	v63 =	vld.idx.msk [tilespmem:v6+s25+$0x0], $0xffff  }
0xb5: {  	v0 =	vsel vm2, v14, v0;
	v2 =	vadd.f32 $-1.000000000e+00, v62  }
0xb6: {  	v0 =	vsel vm3, v5, v0  }
0xb7: {  	v0 =	vadd.f32 v2, v0;
	_ =	sdelay $0x1  }
0xb8: {  	v0 =	vsub.f32 v0, v63  }
0xb9: {  	vm15 =	vmmov $0xff  }
0xba: {  	s26 =	sshll.u32 s2, $0x4;
	s28 =	simm.s32 $0x0;
	v0 =	vnsel vm15, $0x0, v0  }
0xbb: {  	s29 =	simm.s32 $0x500;
	s30 =	simm.s32 $0x1;
	s3 =	sadd.s32 s5, s26;
	[tilespmem:$0x500] =	vst v0  }
0xbc: {  	[hbm4b:s3+s28] =	stream.linear.scatter [tilespmem:s29], [sflag:$0x1], $0x80, $0x38;
	[tilespmem:$0xD80] =	vst v63  }
0xbd: {  	_ =	swait.ge [sflag:s30], $0x80  }
0xbe: {  	[sflag:s30] =	ssyncset.done $0x0  }
0xbf: {  	s31 =	simm.s32 $0x3;
	[sflag:s30] =	ssyncadd.s32 $0xFFFFFF80  }
0xc0: {  	_ =	swait.ge [sflag:s31], $0x400  }
0xc1: {  	[sflag:s31] =	ssyncset.done $0x0  }
0xc2: {  	[sflag:s31] =	ssyncadd.s32 $0xFFFFFC00  }
0xc3: {  	p0 =	sne.s32 s2, $0x0;
	[bflag:$0x0] =	sbarrier.arrive $0xFFFF  }
0xc4: {  	_ =	sfence.sel @p0 $0x180000  }
0xc5: {  	[bflag:$0x0] =	sbarrier.arrive @p0 $0xFFFF  }
0xc6: {  	_ =	strace @p0 $0x90000047  }
0xc7: {  	s2 =	simm.s32 @!p0 $0x0;
	s3 =	simm.s32 @!p0 $0x580;
	[bflag:$0x2] =	sbarrier.arrive @p0 $0xFFFF  }
0xc8: {  	[tilespmem:s3], [sflag:$0x4] =	stream.linear.gather @!p0 [hbm4b:s5+s2], $0x800, $0x38;
	[tilespmem:$0xD80] =	vst v63  }
0xc9: {  	s3 =	simm.s32 @!p0 $0x4  }
0xca: {  	_ =	swait.ge @!p0 [sflag:s3], $0x800  }
0xcb: {  	[sflag:s3] =	ssyncset.done @!p0 $0x0  }
0xcc: {  	[sflag:s3] =	ssyncadd.s32 @!p0 $0xFFFFF800  }
0xcd: {  	v0 =	vld @!p0 [tilespmem:$0x580]  }
0xce: {  	v1 =	vld @!p0 [tilespmem:$0x600];
	_ =	sdelay $0x1  }
0xcf: {  	v2 =	vld @!p0 [tilespmem:$0x680];
	_ =	sdelay $0x1  }
0xd0: {  	v3 =	vld @!p0 [tilespmem:$0x700]  }
0xd1: {  	v0 =	vadd.f32 @!p0 v1, v0  }
0xd2: {  	v1 =	vld @!p0 [tilespmem:$0x780]  }
0xd3: {  	v0 =	vadd.f32 @!p0 v2, v0  }
0xd4: {  	v2 =	vld @!p0 [tilespmem:$0x800]  }
0xd5: {  	v0 =	vadd.f32 @!p0 v3, v0  }
0xd6: {  	v3 =	vld @!p0 [tilespmem:$0x880]  }
0xd7: {  	v0 =	vadd.f32 @!p0 v1, v0  }
0xd8: {  	v1 =	vld @!p0 [tilespmem:$0x900]  }
0xd9: {  	v0 =	vadd.f32 @!p0 v2, v0  }
0xda: {  	v2 =	vld @!p0 [tilespmem:$0x980]  }
0xdb: {  	v0 =	vadd.f32 @!p0 v3, v0  }
0xdc: {  	v3 =	vld @!p0 [tilespmem:$0xA00]  }
0xdd: {  	v0 =	vadd.f32 @!p0 v1, v0  }
0xde: {  	v1 =	vld @!p0 [tilespmem:$0xA80]  }
0xdf: {  	v0 =	vadd.f32 @!p0 v2, v0  }
0xe0: {  	v2 =	vld @!p0 [tilespmem:$0xB00]  }
0xe1: {  	v0 =	vadd.f32 @!p0 v3, v0  }
0xe2: {  	v3 =	vld @!p0 [tilespmem:$0xB80]  }
0xe3: {  	v0 =	vadd.f32 @!p0 v1, v0  }
0xe4: {  	v1 =	vld @!p0 [tilespmem:$0xC00]  }
0xe5: {  	v0 =	vadd.f32 @!p0 v2, v0  }
0xe6: {  	v2 =	vld @!p0 [tilespmem:$0xC80]  }
0xe7: {  	v0 =	vadd.f32 @!p0 v3, v0  }
0xe8: {  	v3 =	vld @!p0 [tilespmem:$0xD00]  }
0xe9: {  	v0 =	vadd.f32 @!p0 v1, v0;
	_ =	sdelay $0x1  }
0xea: {  	v0 =	vadd.f32 @!p0 v2, v0;
	_ =	sdelay $0x1  }
0xeb: {  	v0 =	vadd.f32 @!p0 v3, v0;
	_ =	sdelay $0x1  }
0xec: {  	v0 =	vmul.f32 @!p0 $7.812500000e-03, v0;
	_ =	sdelay $0x1  }
0xed: {  	(xrf2) =	vadd.scan.msk.f32 @!p0 $0xffff, v0;
	_ =	sdelay $0x9  }
0xee: {  	v0, _, _ =	vpop @!p0 (xrf2)  }
0xef: {  	v0 =	vbroadcast @!p0 v0, $0xF;
	_ =	sdelay $0x1  }
0xf0: {  	s4 =	simm.s32 @!p0 $0x500;
	[tilespmem:$0x500] =	vst @!p0 v0  }
0xf1: {  	[hbm4b:s1+s2] =	stream.linear.scatter @!p0 [tilespmem:s4], [sflag:$0x4], $0x80, $0x38;
	[tilespmem:$0xD80] =	vst v63  }
0xf2: {  	_ =	swait.ge @!p0 [sflag:s3], $0x80  }
0xf3: {  	[sflag:s3] =	ssyncset.done @!p0 $0x0  }
0xf4: {  	[sflag:s3] =	ssyncadd.s32 @!p0 $0xFFFFFF80  }
0xf5: {  	_ =	sfence.sel @!p0 $0x180000  }
0xf6: {  	[bflag:$0x0] =	sbarrier.arrive @!p0 $0xFFFF  }
0xf7: {  	_ =	strace @!p0 $0x90000047  }
0xf8: {  	s0 =	sadd.s32 @!p0 $0x100000, s0;
	[bflag:$0x2] =	sbarrier.arrive @!p0 $0xFFFF  }
0xf9: {  	[sflag:s0] =	ssyncadd.tile.s32 @!p0 $0x1;
	_ =	shalt  }
.Lfunc_end2:
_tile_overlayer_lowered:
.L_overlay_start_2:
0xfa: {  	(tag) =	ssettag $0x2  }
0xfb: {  	s0 =	rddreg [dreg:$0x0];
	s2 =	stileid.u32  }
0xfc: {  	s1 =	rddreg [dreg:$0x1];
	p0 =	sne.s32 s2, $0x0  }
0xfd: {  	s3 =	rddreg [dreg:$0x2];
	[bflag:$0x3] =	sbarrier.arrive $0xFFFF;
	s2 =	simm.s32 @!p0 $0x1C04  }
0xfe: {  	[timem:s3], [sflag:s2] =	dma.local @!p0 [hbm:s0], s1  }
0xff: {  	s0 =	simm.s32 @!p0 $0x4  }
0x100: {  	_ =	swait.ge @!p0 [sflag:s0], s1  }
0x101: {  	s1 =	ssub.s32 @!p0 $0x0, s1;
	[sflag:s0] =	ssyncset.done @!p0 $0x0  }
0x102: {  	[sflag:s0] =	ssyncadd.s32 @!p0 s1  }
0x103: {  	[bflag:$0x3] =	sbarrier.arrive $0xFFFF  }
0x104: {  	_ =	shalt  }

</sc_bundles>
